<compile_context>
chip_gen: v7x
topology: tpu7x:2x2x1
jax: 0.10.2.dev20260603
libtpu: 0.0.44.dev20260713+nightly
codegen_flags: <defaults>
</compile_context>

<pallas_src>
import functools
import jax
import jax.numpy as jnp
from jax import lax
from jax.experimental import pallas as pl
from jax.experimental.pallas import tpu as pltpu
from jax.experimental.pallas import tpu_sc as plsc

IN_F = 1024
OUT_F = 1024
RANK = 16
NE = 16
SCALING = 2.0
TB = 512
N_TOK = 2048
NW = 32
TPW = N_TOK // NW


def _logits_kernel(x_ref, rwt_ref, out_ref):
    out_ref[...] = jnp.dot(x_ref[...], rwt_ref[...],
                           preferred_element_type=jnp.float32)


def _lane_bcast(v, lane):
    idx = jnp.full((NE,), lane, jnp.int32)
    return lax.gather(
        v, idx[:, None],
        dimension_numbers=lax.GatherDimensionNumbers(
            offset_dims=(), collapsed_slice_dims=(0,), start_index_map=(0,)),
        slice_sizes=(1,), mode=lax.GatherScatterMode.PROMISE_IN_BOUNDS)


def _sc_router(lg_hbm, w_hbm, lg_v, w_v):
    wid = lax.axis_index("s") * 2 + lax.axis_index("c")
    base = wid * TPW
    pltpu.sync_copy(lg_hbm.at[pl.ds(base, TPW)], lg_v)
    iota = lax.iota(jnp.int32, NE)

    def body(i, carry):
        l = lg_v[i]
        k_sorted, v_sorted = plsc.sort_key_val(l, iota, descending=True)
        top = _lane_bcast(k_sorted, 0)
        e = jnp.exp(k_sorted - top)
        e2 = _lane_bcast(e, 1)
        wsorted = jnp.where(iota == 0, 1.0, jnp.where(iota == 1, e, 0.0))
        wsorted = wsorted / (1.0 + e2)
        row = jnp.full((NE,), i, jnp.int32)
        plsc.store_scatter(w_v, [row, v_sorted], wsorted)
        return carry

    lax.fori_loop(0, TPW, body, 0)
    pltpu.sync_copy(w_v, w_hbm.at[pl.ds(base, TPW)])


def _main_kernel(x_ref, w_ref, wcat_ref, bb_ref, bf_ref, out_ref):
    xb16 = x_ref[...].astype(jnp.bfloat16)
    res = jnp.dot(xb16, wcat_ref[...], preferred_element_type=jnp.float32)
    base = res[:, :OUT_F]
    h = res[:, OUT_F:]
    er = jax.lax.broadcasted_iota(jnp.int32, (NE, NE * RANK), 0)
    ec = jax.lax.broadcasted_iota(jnp.int32, (NE, NE * RANK), 1)
    expand = (ec // RANK == er).astype(jnp.float32)
    hw = (h * jnp.dot(w_ref[...], expand,
                      preferred_element_type=jnp.float32)).astype(jnp.bfloat16)
    lora = jnp.dot(hw, bf_ref[...], preferred_element_type=jnp.float32)
    out_ref[...] = base + bb_ref[...] + lora


def kernel(x, base_W, base_b, router_W, lora_A, lora_B):
    orig_shape = x.shape
    x_flat = x.reshape(-1, IN_F)
    n_tok = x_flat.shape[0]

    rwt = router_W.T
    bwt = base_W.T.astype(jnp.bfloat16)
    at = lora_A.reshape(NE * RANK, IN_F).T.astype(jnp.bfloat16)
    wcat = jnp.concatenate([bwt, at], axis=1)
    bf = (lora_B.transpose(0, 2, 1).reshape(NE * RANK, OUT_F) * SCALING).astype(jnp.bfloat16)
    bb = base_b.reshape(1, OUT_F)

    logits = pl.pallas_call(
        _logits_kernel,
        grid=(n_tok // TB,),
        in_specs=[
            pl.BlockSpec((TB, IN_F), lambda i: (i, 0)),
            pl.BlockSpec((IN_F, NE), lambda i: (0, 0)),
        ],
        out_specs=pl.BlockSpec((TB, NE), lambda i: (i, 0)),
        out_shape=jax.ShapeDtypeStruct((n_tok, NE), jnp.float32),
        compiler_params=pltpu.CompilerParams(
            dimension_semantics=("arbitrary",),
        ),
    )(x_flat, rwt)

    mesh = plsc.VectorSubcoreMesh(core_axis_name="c", subcore_axis_name="s")
    w = pl.kernel(
        _sc_router,
        out_type=jax.ShapeDtypeStruct((n_tok, NE), jnp.float32),
        mesh=mesh,
        scratch_types=[
            pltpu.VMEM((TPW, NE), jnp.float32),
            pltpu.VMEM((TPW, NE), jnp.float32),
        ],
        compiler_params=pltpu.CompilerParams(needs_layout_passes=False),
    )(logits)

    out = pl.pallas_call(
        _main_kernel,
        grid=(n_tok // TB,),
        in_specs=[
            pl.BlockSpec((TB, IN_F), lambda i: (i, 0)),
            pl.BlockSpec((TB, NE), lambda i: (i, 0)),
            pl.BlockSpec((IN_F, OUT_F + NE * RANK), lambda i: (0, 0)),
            pl.BlockSpec((1, OUT_F), lambda i: (0, 0)),
            pl.BlockSpec((NE * RANK, OUT_F), lambda i: (0, 0)),
        ],
        out_specs=pl.BlockSpec((TB, OUT_F), lambda i: (i, 0)),
        out_shape=jax.ShapeDtypeStruct((n_tok, OUT_F), x.dtype),
        compiler_params=pltpu.CompilerParams(
            dimension_semantics=("arbitrary",),
        ),
    )(x_flat, w, wcat, bb, bf)
    return out.reshape(*orig_shape[:-1], OUT_F)

# --- scband reference (transcript-rebuilt; emitter-appended) ---
"""Pipeline reference for scband-mo-elo-ralayer-9852654977364 (READ-ONLY COPY).

The authoritative reference and input builder live on the scoring server;
editing this copy changes nothing except your own understanding.
"""

import jax, jax.numpy as jnp
import numpy as np

IN_FEATURES = 1024
OUT_FEATURES = 1024
R = 16
NUM_EXPERTS = 16
TOP_K = 2
LORA_ALPHA = 32
SCALING = LORA_ALPHA / R


def setup_inputs(seed: int = 0) -> dict:
    key = jax.random.key(seed)
    k_x, k_bw, k_bb, k_r, k_a, k_b = jax.random.split(key, 6)
    x = jax.random.normal(k_x, (1, 2048, IN_FEATURES), dtype=jnp.float32)
    base_W = jax.random.normal(k_bw, (OUT_FEATURES, IN_FEATURES), dtype=jnp.float32) * (1.0 / np.sqrt(IN_FEATURES))
    base_b = jax.random.normal(k_bb, (OUT_FEATURES,), dtype=jnp.float32) * 0.01
    # router_init == 'random': normal(0, 0.01)
    router_W = jax.random.normal(k_r, (NUM_EXPERTS, IN_FEATURES), dtype=jnp.float32) * 0.01
    # lora_A: kaiming-uniform-like; lora_B: small nonzero (torch init is zeros which
    # would make the LoRA path identically zero, so use small random for benchmarking)
    bound = np.sqrt(6.0 / IN_FEATURES)
    lora_A = jax.random.uniform(k_a, (NUM_EXPERTS, R, IN_FEATURES), dtype=jnp.float32, minval=-bound, maxval=bound)
    lora_B = jax.random.normal(k_b, (NUM_EXPERTS, OUT_FEATURES, R), dtype=jnp.float32) * 0.02
    return {"x": x, "base_W": base_W, "base_b": base_b, "router_W": router_W, "lora_A": lora_A, "lora_B": lora_B}


def reference(x, base_W, base_b, router_W, lora_A, lora_B):
    original_shape = x.shape
    x_flat = x.reshape(-1, IN_FEATURES)
    # router + softmax + top-k (SparseCore-relevant: top_k, masked scatter-accumulate)
    router_logits = x_flat @ router_W.T
    router_probs = jax.nn.softmax(router_logits, axis=-1)
    topk_probs, topk_idx = jax.lax.top_k(router_probs, TOP_K)
    topk_probs = topk_probs / jnp.sum(topk_probs, axis=-1, keepdims=True)
    n_tok = x_flat.shape[0]
    expert_output = jnp.zeros((n_tok, OUT_FEATURES), dtype=x.dtype)
    for expert_id in range(NUM_EXPERTS):
        # combine routing weight over the top-k slots assigned to this expert
        w_e = jnp.sum(jnp.where(topk_idx == expert_id, topk_probs, 0.0), axis=-1)  # [N]
        lora_out = (x_flat @ lora_A[expert_id].T) @ lora_B[expert_id].T
        lora_out = lora_out * SCALING
        expert_output = expert_output + w_e[:, None] * lora_out
    expert_output = expert_output.reshape(*original_shape[:-1], OUT_FEATURES)
    base_output = x @ base_W.T + base_b
    # adapter_init == 'random' -> final = base + expert
    return base_output + expert_output

if __name__ == "__main__":
    import jax
    _d = setup_inputs()
    print(jax.jit(kernel)(*tuple(_d.values())))

</pallas_src>

<mosaic_0001>
#map = affine_map<(d0, d1) -> (0, 0)>
module attributes {stable_mosaic.version = 14 : i64} {
  func.func @_sc_router(%arg0: i32, %arg1: i32, %arg2: memref<2048x16xf32, #tpu.memory_space<hbm>>, %arg3: memref<2048x16xf32, #tpu.memory_space<hbm>>, %arg4: memref<64x16xf32, #tpu.memory_space<vmem>>, %arg5: memref<64x16xf32, #tpu.memory_space<vmem>>) attributes {dimension_semantics = [#tpu.dimension_semantics<core_parallel>, #tpu.dimension_semantics<subcore_parallel>], iteration_bounds = array<i64: 2, 16>, scalar_prefetch = 0 : i64, scratch_operands = 2 : i64, tpu.core_type = #tpu.core_type<sc_vector_subcore>, window_params = [{transform_indices = #map}, {transform_indices = #map}]} {
    %mul3A = arith.constant 2 : i32
    %mul3A_0 = arith.muli %arg1, %mul3A : i32
    %add3A = arith.addi %mul3A_0, %arg0 : i32
    %mul3A_1 = arith.constant 64 : i32
    %mul3A_2 = arith.muli %add3A, %mul3A_1 : i32
    "tpu.region"() ({
      %run_scoped3A = tpu.sem_alloc : memref<!tpu.dma_semaphore, #tpu.memory_space<semaphore_mem>>
      %dma_start3A = arith.constant 0 : i32
      %dma_start3A_8 = tpu.memref_slice %arg2[%mul3A_2, %dma_start3A] : memref<2048x16xf32, #tpu.memory_space<hbm>> -> memref<64x16xf32, #tpu.memory_space<hbm>>
      %dma_start3A_9 = arith.constant 0 : i32
      %dma_start3A_10 = tpu.memref_slice %arg2[%mul3A_2, %dma_start3A_9] : memref<2048x16xf32, #tpu.memory_space<hbm>> -> memref<64x16xf32, #tpu.memory_space<hbm>>
      tpu.enqueue_dma source(%dma_start3A_10 : memref<64x16xf32, #tpu.memory_space<hbm>>) target(%arg4 : memref<64x16xf32, #tpu.memory_space<vmem>>) target_semaphore(%run_scoped3A : memref<!tpu.dma_semaphore, #tpu.memory_space<semaphore_mem>>)
      %dma_wait3A = arith.constant 0 : i32
      %dma_wait3A_11 = tpu.memref_slice %arg2[%mul3A_2, %dma_wait3A] : memref<2048x16xf32, #tpu.memory_space<hbm>> -> memref<64x16xf32, #tpu.memory_space<hbm>>
      %dma_wait3A_12 = arith.constant 0 : i32
      %dma_wait3A_13 = tpu.memref_slice %arg2[%mul3A_2, %dma_wait3A_12] : memref<2048x16xf32, #tpu.memory_space<hbm>> -> memref<64x16xf32, #tpu.memory_space<hbm>>
      tpu.wait_dma2 semaphore(%run_scoped3A : memref<!tpu.dma_semaphore, #tpu.memory_space<semaphore_mem>>) src(%dma_wait3A_13 : memref<64x16xf32, #tpu.memory_space<hbm>>) dst(%arg4 : memref<64x16xf32, #tpu.memory_space<vmem>>)
      tpu.yield
    }) : () -> ()
    %iota3A = tpu.iota {dimensions = array<i32: 0>} : vector<16xi32>
    %scan3A = arith.constant 0 : i32
    %scan3A_3 = arith.constant 0 : i32
    %scan3A_4 = arith.constant 64 : i32
    %scan3A_5 = arith.addi %scan3A_3, %scan3A_4 : i32
    %scan3A_6 = arith.constant 1 : i32
    scf.for %scan3A_8 = %scan3A_3 to %scan3A_5 step %scan3A_6  : i32 {
      %get3A = arith.index_cast %scan3A_8 : i32 to index
      %get3A_9 = arith.constant 0 : index
      %get3A_10 = tpu.vector_load %arg4[%get3A, %get3A_9] {strides = array<i32>} : memref<64x16xf32, #tpu.memory_space<vmem>>, vector<16xf32>,
      %masked_sort3A = arith.constant dense<true> : vector<16xi1>
      %masked_sort3A_11, %masked_sort3A_12, %masked_sort3A_13 = tpu.sort %get3A_10, %iota3A masked %masked_sort3A {descending = true} : (vector<16xf32>, vector<16xi32>, vector<16xi1>) -> (vector<16xi1>, vector<16xf32>, vector<16xi32>)
      %broadcast_in_dim3A = arith.constant 0 : i32
      %broadcast_in_dim3A_14 = vector.broadcast %broadcast_in_dim3A : i32 to vector<16xi32>
      %broadcast_in_dim3A_15 = vector.shape_cast %broadcast_in_dim3A_14 : vector<16xi32> to vector<16x1xi32>
      %gather3A = vector.shape_cast %broadcast_in_dim3A_15 : vector<16x1xi32> to vector<16xi32>
      %gather3A_16 = tpu.dynamic_gather %masked_sort3A_12[%gather3A] in [0] : vector<16xf32>, vector<16xi32> -> vector<16xf32>
      %sub3A = arith.subf %masked_sort3A_12, %gather3A_16 : vector<16xf32>
      %exp3A = math.exp %sub3A : vector<16xf32>
      %broadcast_in_dim3A_17 = arith.constant 1 : i32
      %broadcast_in_dim3A_18 = vector.broadcast %broadcast_in_dim3A_17 : i32 to vector<16xi32>
      %broadcast_in_dim3A_19 = vector.shape_cast %broadcast_in_dim3A_18 : vector<16xi32> to vector<16x1xi32>
      %gather3A_20 = vector.shape_cast %broadcast_in_dim3A_19 : vector<16x1xi32> to vector<16xi32>
      %gather3A_21 = tpu.dynamic_gather %exp3A[%gather3A_20] in [0] : vector<16xf32>, vector<16xi32> -> vector<16xf32>
      %eq3A = arith.constant 0 : i32
      %eq3A_22 = vector.broadcast %eq3A : i32 to vector<16xi32>
      %eq3A_23 = arith.cmpi eq, %iota3A, %eq3A_22 : vector<16xi32>
      %eq3A_24 = arith.constant 1 : i32
      %eq3A_25 = vector.broadcast %eq3A_24 : i32 to vector<16xi32>
      %eq3A_26 = arith.cmpi eq, %iota3A, %eq3A_25 : vector<16xi32>
      %jit3A = arith.constant 0.000000e+00 : f32
      %broadcast_in_dim3A_27 = vector.broadcast %jit3A : f32 to vector<16xf32>
      %select_n3A = arith.select %eq3A_26, %exp3A, %broadcast_in_dim3A_27 : vector<16xi1>, vector<16xf32>
      %jit3A_28 = arith.constant 1.000000e+00 : f32
      %broadcast_in_dim3A_29 = vector.broadcast %jit3A_28 : f32 to vector<16xf32>
      %select_n3A_30 = arith.select %eq3A_23, %broadcast_in_dim3A_29, %select_n3A : vector<16xi1>, vector<16xf32>
      %add3A_31 = arith.constant 1.000000e+00 : f32
      %add3A_32 = vector.broadcast %add3A_31 : f32 to vector<16xf32>
      %add3A_33 = arith.addf %add3A_32, %gather3A_21 : vector<16xf32>
      %div3A = arith.divf %select_n3A_30, %add3A_33 : vector<16xf32>
      %broadcast_in_dim3A_34 = vector.broadcast %scan3A_8 : i32 to vector<16xi32>
      tpu.vector_store_idx %arg5[%broadcast_in_dim3A_34, %masked_sort3A_13], %div3A : memref<64x16xf32, #tpu.memory_space<vmem>>[vector<16xi32>, vector<16xi32>], vector<16xf32>,
    }
    %scan3A_7 = arith.constant 64 : i32
    "tpu.region"() ({
      %run_scoped3A = tpu.sem_alloc : memref<!tpu.dma_semaphore, #tpu.memory_space<semaphore_mem>>
      %dma_start3A = arith.constant 0 : i32
      %dma_start3A_8 = tpu.memref_slice %arg3[%mul3A_2, %dma_start3A] : memref<2048x16xf32, #tpu.memory_space<hbm>> -> memref<64x16xf32, #tpu.memory_space<hbm>>
      %dma_start3A_9 = arith.constant 0 : i32
      %dma_start3A_10 = tpu.memref_slice %arg3[%mul3A_2, %dma_start3A_9] : memref<2048x16xf32, #tpu.memory_space<hbm>> -> memref<64x16xf32, #tpu.memory_space<hbm>>
      tpu.enqueue_dma source(%arg5 : memref<64x16xf32, #tpu.memory_space<vmem>>) target(%dma_start3A_10 : memref<64x16xf32, #tpu.memory_space<hbm>>) target_semaphore(%run_scoped3A : memref<!tpu.dma_semaphore, #tpu.memory_space<semaphore_mem>>)
      %dma_wait3A = arith.constant 0 : i32
      %dma_wait3A_11 = tpu.memref_slice %arg3[%mul3A_2, %dma_wait3A] : memref<2048x16xf32, #tpu.memory_space<hbm>> -> memref<64x16xf32, #tpu.memory_space<hbm>>
      %dma_wait3A_12 = arith.constant 0 : i32
      %dma_wait3A_13 = tpu.memref_slice %arg3[%mul3A_2, %dma_wait3A_12] : memref<2048x16xf32, #tpu.memory_space<hbm>> -> memref<64x16xf32, #tpu.memory_space<hbm>>
      tpu.wait_dma2 semaphore(%run_scoped3A : memref<!tpu.dma_semaphore, #tpu.memory_space<semaphore_mem>>) src(%arg5 : memref<64x16xf32, #tpu.memory_space<vmem>>) dst(%dma_wait3A_13 : memref<64x16xf32, #tpu.memory_space<hbm>>)
      tpu.yield
    }) : () -> ()
    return
  }
}

module attributes {stable_mosaic.version = 14 : i64} {
  func.func @_logits_kernel(%arg0: i32, %arg1: memref<512x1024xf32, #tpu.memory_space<vmem>>, %arg2: memref<1024x16xf32, #tpu.memory_space<vmem>>, %arg3: memref<512x16xf32, #tpu.memory_space<vmem>>) attributes {dimension_semantics = [#tpu.dimension_semantics<arbitrary>], iteration_bounds = array<i64: 4>, scalar_prefetch = 0 : i64, scratch_operands = 0 : i64, tpu.core_type = #tpu.core_type<tc>, window_params = [{transform_indices = @transform_0, window_bounds = array<i64: 512, 1024>}, {pipeline_mode = #tpu.pipeline_mode<synchronous>, transform_indices = @transform_1, window_bounds = array<i64: 1024, 16>}, {transform_indices = @transform_2, window_bounds = array<i64: 512, 16>}]} {
    %get3A = arith.constant 0 : index
    %get3A_0 = arith.constant 0 : index
    %get3A_1 = vector.load %arg1[%get3A, %get3A_0] : memref<512x1024xf32, #tpu.memory_space<vmem>>, vector<512x1024xf32>
    %get3A_2 = arith.constant 0 : index
    %get3A_3 = arith.constant 0 : index
    %get3A_4 = vector.load %arg2[%get3A_2, %get3A_3] : memref<1024x16xf32, #tpu.memory_space<vmem>>, vector<1024x16xf32>
    %dot_general3A = arith.constant dense<0.000000e+00> : vector<512x16xf32>
    %dot_general3A_5 = tpu.matmul %get3A_1, %get3A_4, %dot_general3A {dimension_numbers = #tpu.dot_dimension_numbers<[1], [0], [0], [1], [0, 0, 1, 1], [], []>, transpose_lhs_hint = false} : vector<512x1024xf32>, vector<1024x16xf32>, vector<512x16xf32> -> vector<512x16xf32>
    %swap3A = arith.constant 0 : index
    %swap3A_6 = arith.constant 0 : index
    %swap3A_7 = vector.load %arg3[%swap3A, %swap3A_6] : memref<512x16xf32, #tpu.memory_space<vmem>>, vector<512x16xf32>
    tpu.vector_store %arg3[%swap3A, %swap3A_6], %dot_general3A_5 {strides = array<i32>} : memref<512x16xf32, #tpu.memory_space<vmem>>, vector<512x16xf32>,
    return
  }
  func.func @transform_0(%arg0: i32) -> (i32, i32) {
    %c0_i32 = arith.constant 0 : i32
    %c0_i32_0 = arith.constant 0 : i32
    return %arg0, %c0_i32 : i32, i32
  }
  func.func @transform_1(%arg0: i32) -> (i32, i32) {
    %c0_i32 = arith.constant 0 : i32
    %c0_i32_0 = arith.constant 0 : i32
    %c0_i32_1 = arith.constant 0 : i32
    return %c0_i32, %c0_i32_0 : i32, i32
  }
  func.func @transform_2(%arg0: i32) -> (i32, i32) {
    %c0_i32 = arith.constant 0 : i32
    %c0_i32_0 = arith.constant 0 : i32
    return %arg0, %c0_i32 : i32, i32
  }
}

module attributes {stable_mosaic.version = 14 : i64} {
  func.func @_main_kernel(%arg0: i32, %arg1: memref<512x1024xf32, #tpu.memory_space<vmem>>, %arg2: memref<512x16xf32, #tpu.memory_space<vmem>>, %arg3: memref<1024x1280xbf16, #tpu.memory_space<vmem>>, %arg4: memref<1x1024xf32, #tpu.memory_space<vmem>>, %arg5: memref<256x1024xbf16, #tpu.memory_space<vmem>>, %arg6: memref<512x1024xf32, #tpu.memory_space<vmem>>) attributes {dimension_semantics = [#tpu.dimension_semantics<arbitrary>], iteration_bounds = array<i64: 4>, scalar_prefetch = 0 : i64, scratch_operands = 0 : i64, tpu.core_type = #tpu.core_type<tc>, window_params = [{transform_indices = @transform_0, window_bounds = array<i64: 512, 1024>}, {transform_indices = @transform_1, window_bounds = array<i64: 512, 16>}, {pipeline_mode = #tpu.pipeline_mode<synchronous>, transform_indices = @transform_2, window_bounds = array<i64: 1024, 1280>}, {pipeline_mode = #tpu.pipeline_mode<synchronous>, transform_indices = @transform_3, window_bounds = array<i64: 1, 1024>}, {pipeline_mode = #tpu.pipeline_mode<synchronous>, transform_indices = @transform_4, window_bounds = array<i64: 256, 1024>}, {transform_indices = @transform_5, window_bounds = array<i64: 512, 1024>}]} {
    %get3A = arith.constant 0 : index
    %get3A_0 = arith.constant 0 : index
    %get3A_1 = vector.load %arg1[%get3A, %get3A_0] : memref<512x1024xf32, #tpu.memory_space<vmem>>, vector<512x1024xf32>
    %convert_element_type3A = arith.truncf %get3A_1 : vector<512x1024xf32> to vector<512x1024xbf16>
    %get3A_2 = arith.constant 0 : index
    %get3A_3 = arith.constant 0 : index
    %get3A_4 = vector.load %arg3[%get3A_2, %get3A_3] : memref<1024x1280xbf16, #tpu.memory_space<vmem>>, vector<1024x1280xbf16>
    %dot_general3A = arith.constant dense<0.000000e+00> : vector<512x1280xf32>
    %dot_general3A_5 = tpu.matmul %convert_element_type3A, %get3A_4, %dot_general3A {dimension_numbers = #tpu.dot_dimension_numbers<[1], [0], [0], [1], [0, 0, 1, 1], [], []>, transpose_lhs_hint = false} : vector<512x1024xbf16>, vector<1024x1280xbf16>, vector<512x1280xf32> -> vector<512x1280xf32>
    %slice3A = vector.extract_strided_slice %dot_general3A_5 {offsets = [0, 0], sizes = [512, 1024], strides = [1, 1]} : vector<512x1280xf32> to vector<512x1024xf32>
    %slice3A_6 = vector.extract_strided_slice %dot_general3A_5 {offsets = [0, 1024], sizes = [512, 256], strides = [1, 1]} : vector<512x1280xf32> to vector<512x256xf32>
    %iota3A = tpu.iota {dimensions = array<i32: 0>} : vector<16x256xi32>
    %iota3A_7 = tpu.iota {dimensions = array<i32: 1>} : vector<16x256xi32>
    %jit3A = arith.constant 16 : i32
    %div3A = vector.broadcast %jit3A : i32 to vector<16x256xi32>
    %div3A_8 = arith.divsi %iota3A_7, %div3A : vector<16x256xi32>
    %sign3A = arith.constant 0 : i32
    %sign3A_9 = vector.broadcast %sign3A : i32 to vector<16x256xi32>
    %sign3A_10 = arith.cmpi sgt, %iota3A_7, %sign3A_9 : vector<16x256xi32>
    %sign3A_11 = arith.extui %sign3A_10 : vector<16x256xi1> to vector<16x256xi32>
    %sign3A_12 = arith.constant 0 : i32
    %sign3A_13 = vector.broadcast %sign3A_12 : i32 to vector<16x256xi32>
    %sign3A_14 = arith.cmpi slt, %iota3A_7, %sign3A_13 : vector<16x256xi32>
    %sign3A_15 = arith.extui %sign3A_14 : vector<16x256xi1> to vector<16x256xi32>
    %sign3A_16 = arith.subi %sign3A_11, %sign3A_15 : vector<16x256xi32>
    %sign3A_17 = arith.constant 0 : i32
    %sign3A_18 = arith.cmpi sgt, %jit3A, %sign3A_17 : i32
    %sign3A_19 = arith.extui %sign3A_18 : i1 to i32
    %sign3A_20 = arith.constant 0 : i32
    %sign3A_21 = arith.cmpi slt, %jit3A, %sign3A_20 : i32
    %sign3A_22 = arith.extui %sign3A_21 : i1 to i32
    %sign3A_23 = arith.subi %sign3A_19, %sign3A_22 : i32
    %ne3A = vector.broadcast %sign3A_23 : i32 to vector<16x256xi32>
    %ne3A_24 = arith.cmpi ne, %sign3A_16, %ne3A : vector<16x256xi32>
    %rem3A = vector.broadcast %jit3A : i32 to vector<16x256xi32>
    %rem3A_25 = arith.remsi %iota3A_7, %rem3A : vector<16x256xi32>
    %ne3A_26 = arith.constant 0 : i32
    %ne3A_27 = vector.broadcast %ne3A_26 : i32 to vector<16x256xi32>
    %ne3A_28 = arith.cmpi ne, %rem3A_25, %ne3A_27 : vector<16x256xi32>
    %and3A = arith.andi %ne3A_24, %ne3A_28 : vector<16x256xi1>
    %sub3A = arith.constant 1 : i32
    %sub3A_29 = vector.broadcast %sub3A : i32 to vector<16x256xi32>
    %sub3A_30 = arith.subi %div3A_8, %sub3A_29 : vector<16x256xi32>
    %select_n3A = arith.select %and3A, %sub3A_30, %div3A_8 : vector<16x256xi1>, vector<16x256xi32>
    %eq3A = arith.cmpi eq, %select_n3A, %iota3A : vector<16x256xi32>
    %convert_element_type3A_31 = arith.extui %eq3A : vector<16x256xi1> to vector<16x256xi32>
    %convert_element_type3A_32 = arith.sitofp %convert_element_type3A_31 : vector<16x256xi32> to vector<16x256xf32>
    %get3A_33 = arith.constant 0 : index
    %get3A_34 = arith.constant 0 : index
    %get3A_35 = vector.load %arg2[%get3A_33, %get3A_34] : memref<512x16xf32, #tpu.memory_space<vmem>>, vector<512x16xf32>
    %dot_general3A_36 = arith.constant dense<0.000000e+00> : vector<512x256xf32>
    %dot_general3A_37 = tpu.matmul %get3A_35, %convert_element_type3A_32, %dot_general3A_36 {dimension_numbers = #tpu.dot_dimension_numbers<[1], [0], [0], [1], [0, 0, 1, 1], [], []>, transpose_lhs_hint = false} : vector<512x16xf32>, vector<16x256xf32>, vector<512x256xf32> -> vector<512x256xf32>
    %mul3A = arith.mulf %slice3A_6, %dot_general3A_37 : vector<512x256xf32>
    %convert_element_type3A_38 = arith.truncf %mul3A : vector<512x256xf32> to vector<512x256xbf16>
    %get3A_39 = arith.constant 0 : index
    %get3A_40 = arith.constant 0 : index
    %get3A_41 = vector.load %arg5[%get3A_39, %get3A_40] : memref<256x1024xbf16, #tpu.memory_space<vmem>>, vector<256x1024xbf16>
    %dot_general3A_42 = arith.constant dense<0.000000e+00> : vector<512x1024xf32>
    %dot_general3A_43 = tpu.matmul %convert_element_type3A_38, %get3A_41, %dot_general3A_42 {dimension_numbers = #tpu.dot_dimension_numbers<[1], [0], [0], [1], [0, 0, 1, 1], [], []>, transpose_lhs_hint = false} : vector<512x256xbf16>, vector<256x1024xbf16>, vector<512x1024xf32> -> vector<512x1024xf32>
    %get3A_44 = arith.constant 0 : index
    %get3A_45 = arith.constant 0 : index
    %get3A_46 = vector.load %arg4[%get3A_44, %get3A_45] : memref<1x1024xf32, #tpu.memory_space<vmem>>, vector<1x1024xf32>
    %add3A = vector.broadcast %get3A_46 : vector<1x1024xf32> to vector<512x1024xf32>
    %add3A_47 = arith.addf %slice3A, %add3A : vector<512x1024xf32>
    %add3A_48 = arith.addf %add3A_47, %dot_general3A_43 : vector<512x1024xf32>
    %swap3A = arith.constant 0 : index
    %swap3A_49 = arith.constant 0 : index
    %swap3A_50 = vector.load %arg6[%swap3A, %swap3A_49] : memref<512x1024xf32, #tpu.memory_space<vmem>>, vector<512x1024xf32>
    tpu.vector_store %arg6[%swap3A, %swap3A_49], %add3A_48 {strides = array<i32>} : memref<512x1024xf32, #tpu.memory_space<vmem>>, vector<512x1024xf32>,
    return
  }
  func.func @transform_0(%arg0: i32) -> (i32, i32) {
    %c0_i32 = arith.constant 0 : i32
    %c0_i32_0 = arith.constant 0 : i32
    return %arg0, %c0_i32 : i32, i32
  }
  func.func @transform_1(%arg0: i32) -> (i32, i32) {
    %c0_i32 = arith.constant 0 : i32
    %c0_i32_0 = arith.constant 0 : i32
    return %arg0, %c0_i32 : i32, i32
  }
  func.func @transform_2(%arg0: i32) -> (i32, i32) {
    %c0_i32 = arith.constant 0 : i32
    %c0_i32_0 = arith.constant 0 : i32
    %c0_i32_1 = arith.constant 0 : i32
    return %c0_i32, %c0_i32_0 : i32, i32
  }
  func.func @transform_3(%arg0: i32) -> (i32, i32) {
    %c0_i32 = arith.constant 0 : i32
    %c0_i32_0 = arith.constant 0 : i32
    %c0_i32_1 = arith.constant 0 : i32
    return %c0_i32, %c0_i32_0 : i32, i32
  }
  func.func @transform_4(%arg0: i32) -> (i32, i32) {
    %c0_i32 = arith.constant 0 : i32
    %c0_i32_0 = arith.constant 0 : i32
    %c0_i32_1 = arith.constant 0 : i32
    return %c0_i32, %c0_i32_0 : i32, i32
  }
  func.func @transform_5(%arg0: i32) -> (i32, i32) {
    %c0_i32 = arith.constant 0 : i32
    %c0_i32_0 = arith.constant 0 : i32
    return %arg0, %c0_i32 : i32, i32
  }
}

</mosaic_0001>

<sc_bundles>
// kernel: kernel.5.cloned.1.call-start
scs
__scs_entry_jumppad:
0x0: {  	(pc) =	sbr.rel $0x88, $3  }
0x1: {  	(tag) =	ssettag $0x0;
	lr =	simm.s32 $0x1  }
0x2: {  	[smem:$0x3F9B] =	sst lr;
	_ =	strace $0xD0000000  }
0x3: {  	_ = 	snop  }
0x4: {  	_ = 	snop  }
0x5: {  	_ = 	snop  }
0x6: {  	_ = 	snop  }
0x7: {  	_ = 	snop  }
__scs_overlays_trampoline_lowered:
0x8: {  	[smem:$0x3FAA] =	sst s0  }
0x9: {  	[smem:$0x3FAB] =	sst s1  }
0xa: {  	[smem:$0x3FAC] =	sst s2  }
0xb: {  	[smem:$0x3FAD] =	sst s3  }
0xc: {  	[smem:$0x3FAE] =	sst s4  }
0xd: {  	[smem:$0x3FAF] =	sst s5  }
0xe: {  	[smem:$0x3FB0] =	sst s6  }
0xf: {  	[smem:$0x3FB1] =	sst s7  }
0x10: {  	[smem:$0x3FB2] =	sst s8  }
0x11: {  	[smem:$0x3FB3] =	sst s9;
	s0 =	simm.s32 @!p0 $0x0  }
0x12: {  	s1 =	sld [smem:$0x3F99];
	s0 =	simm.s32 @p0 $0x1  }
0x13: {  	[smem:$0x3FB4] =	sst s0;
	s0 =	simm.s32 @!p1 $0x0  }
0x14: {  	s2 =	sld [smem:$0x3F98];
	s0 =	simm.s32 @p1 $0x1  }
0x15: {  	[smem:$0x3FB5] =	sst s0;
	s0 =	simm.s32 @!p2 $0x0  }
0x16: {  	s3 =	sld [smem:$0x3FDB];
	s0 =	simm.s32 @p2 $0x1  }
0x17: {  	s4 =	simm.s32 $0x1BF5;
	[smem:$0x3FB7] =	sst s0  }
0x18: {  	s0 =	sld [smem:$0x3F9A];
	_ =	swait.ge [sflag:s4], $0x0  }
0x19: {  	s7 =	sld [smem:$0x3F9B]  }
0x1a: {  	s8 =	sadd.s32 $0xFFFFE003, lr  }
0x1b: {  	s9 =	sadd.s32 $0xFFFFFEF7, lr;
	s5 =	simm.s32 $0xFFFFFFFF;
	p2 =	slt.u32 s8, $0xFFFFF086  }
0x1c: {  	p1 =	slt.u32 s9, $0xF7A;
	s5 =	simm.s32 @!p2 $0x0  }
0x1d: {  	s5 =	simm.s32 @p1 $0x1;
	p0 =	seq.s32 s7, s2  }
0x1e: {  	s7 =	smul.u32 @!p0 $0xF7A, s2;
	p2 =	seq.s32 @!p0 s5, $0x0  }
0x1f: {  	s9 =	smul.u32 $0xF7A, s1;
	s8 =	simm.s32 @!p0 $0x1BF5;
	p2 =	por !p2, p0  }
0x20: {  	[sflag:s8] =	ssyncset.s32 @!p0 $0xFFFFF086;
	s6 =	sadd.s32 @!p0 s3, s7;
	s7 =	simm.s32 @!p0 $0x108  }
0x21: {  	s3 =	sadd.s32 s3, s9;
	s6 =	sadd.s32 @!p0 $0x88, s6;
	s7 =	simm.s32 @p2 $0x1082  }
0x22: {  	[simem:s7], [sflag:s8] =	dma.local @!p0 [hbm:s6], $0xF7A  }
0x23: {  	s9 =	sor.u32 $0xD0000000, s2;
	s6 =	simm.s32 $0x108;
	_ =	swait.ge @!p0 [sflag:s8], $0x0  }
0x24: {  	s3 =	sadd.s32 $0x88, s3;
	s6 =	simm.s32 @!p1 $0x1082;
	[sflag:s4] =	ssyncset.s32 $0xFFFFF086  }
0x25: {  	[simem:s6], [sflag:s4] =	dma.local [hbm:s3], $0xF7A  }
0x26: {  	[smem:$0x3F9B] =	sst s1;
	(tag) =	ssettag s2;
	_ =	strace s9  }
0x27: {  	s1 =	sld [smem:$0x3FAB]  }
0x28: {  	s2 =	sld [smem:$0x3FAC]  }
0x29: {  	s4 =	sld [smem:$0x3FAE]  }
0x2a: {  	p0 =	seq.s32 s5, $0x0;
	s5 =	sld [smem:$0x3FAF]  }
0x2b: {  	s6 =	sld [smem:$0x3FB0]  }
0x2c: {  	s7 =	sld [smem:$0x3FB1]  }
0x2d: {  	s3 =	simm.s32 $0x108;
	s8 =	sld [smem:$0x3FB2]  }
0x2e: {  	s3 =	simm.s32 @!p0 $0x1082;
	s9 =	sld [smem:$0x3FB3]  }
0x2f: {  	lr =	sadd.s32 s0, s3;
	s0 =	sld [smem:$0x3FAA]  }
0x30: {  	s3 =	sld [smem:$0x3FAD]  }
0x31: {  	[smem:$0x3FB6] =	sst s10  }
0x32: {  	s10 =	sld [smem:$0x3FB4];
	_ =	sdelay $0x3  }
0x33: {  	p0 =	seq.s32 s10, $0x1;
	s10 =	sld [smem:$0x3FB6];
	_ =	sdelay $0x3  }
0x34: {  	[smem:$0x3FB6] =	sst s10  }
0x35: {  	s10 =	sld [smem:$0x3FB5];
	_ =	sdelay $0x3  }
0x36: {  	p1 =	seq.s32 s10, $0x1;
	s10 =	sld [smem:$0x3FB6];
	_ =	sdelay $0x3  }
0x37: {  	[smem:$0x3FB6] =	sst s10  }
0x38: {  	s10 =	sld [smem:$0x3FB7]  }
0x39: {  	_ = 	snop;
	(pc) =	sbr.ind lr, $3  }
0x3a: {  	_ = 	snop  }
0x3b: {  	_ = 	snop  }
0x3c: {  	p2 =	seq.s32 s10, $0x1;
	s10 =	sld [smem:$0x3FB6]  }
0x3d: {  	_ =	shalt  }
0x3e: {  	_ =	shalt  }
0x3f: {  	_ =	shalt  }
0x40: {  	_ =	shalt  }
0x41: {  	_ =	shalt  }
0x42: {  	_ =	shalt  }
0x43: {  	_ =	shalt  }
0x44: {  	_ =	shalt  }
0x45: {  	_ =	shalt  }
0x46: {  	_ =	shalt  }
0x47: {  	_ =	shalt  }
0x48: {  	_ =	shalt  }
0x49: {  	_ =	shalt  }
0x4a: {  	_ =	shalt  }
0x4b: {  	_ =	shalt  }
0x4c: {  	_ =	shalt  }
0x4d: {  	_ =	shalt  }
0x4e: {  	_ =	shalt  }
0x4f: {  	_ =	shalt  }
0x50: {  	_ =	shalt  }
0x51: {  	_ =	shalt  }
0x52: {  	_ =	shalt  }
0x53: {  	_ =	shalt  }
0x54: {  	_ =	shalt  }
0x55: {  	_ =	shalt  }
0x56: {  	_ =	shalt  }
0x57: {  	_ =	shalt  }
0x58: {  	_ =	shalt  }
0x59: {  	_ =	shalt  }
0x5a: {  	_ =	shalt  }
0x5b: {  	_ =	shalt  }
0x5c: {  	_ =	shalt  }
0x5d: {  	_ =	shalt  }
0x5e: {  	_ =	shalt  }
0x5f: {  	_ =	shalt  }
0x60: {  	_ =	shalt  }
0x61: {  	_ =	shalt  }
0x62: {  	_ =	shalt  }
0x63: {  	_ =	shalt  }
0x64: {  	_ =	shalt  }
0x65: {  	_ =	shalt  }
0x66: {  	_ =	shalt  }
0x67: {  	_ =	shalt  }
0x68: {  	_ =	shalt  }
0x69: {  	_ =	shalt  }
0x6a: {  	_ =	shalt  }
0x6b: {  	_ =	shalt  }
0x6c: {  	_ =	shalt  }
0x6d: {  	_ =	shalt  }
0x6e: {  	_ =	shalt  }
0x6f: {  	_ =	shalt  }
0x70: {  	_ =	shalt  }
0x71: {  	_ =	shalt  }
0x72: {  	_ =	shalt  }
0x73: {  	_ =	shalt  }
0x74: {  	_ =	shalt  }
0x75: {  	_ =	shalt  }
0x76: {  	_ =	shalt  }
0x77: {  	_ =	shalt  }
0x78: {  	_ =	shalt  }
0x79: {  	_ =	shalt  }
0x7a: {  	_ =	shalt  }
0x7b: {  	_ =	shalt  }
0x7c: {  	_ =	shalt  }
0x7d: {  	_ =	shalt  }
0x7e: {  	_ =	shalt  }
0x7f: {  	_ =	shalt  }
0x80: {  	_ =	shalt  }
0x81: {  	_ =	shalt  }
0x82: {  	_ =	shalt  }
0x83: {  	_ =	shalt  }
0x84: {  	_ =	shalt  }
0x85: {  	_ =	shalt  }
0x86: {  	_ =	shalt  }
0x87: {  	_ =	shalt  }
.Lfunc_end0:
.L_simem_size_0:
called_computation_lowered:
.L_overlay_start_0:
0x88: {  	s2 =	sld [smem:$0x3FD9]  }
0x89: {  	s3 =	sld [smem:$0x3FFE];
	_ =	sdelay $0x1  }
0x8a: {  	s1 =	srdreg.scid  }
0x8b: {  	s0 =	sand.u32 $0x1, s1  }
0x8c: {  	s17 =	sshll.u32 s0, $0xA;
	s2 =	sadd.s32 s3, s2  }
0x8d: {  	s2 =	sadd.s32 s2, s17  }
0x8e: {  	[smem:$0x3FC2] =	sst s2  }
0x8f: {  	_ = 	snop  }
0x90: {  	s2 =	sld [smem:$0x3FD0];
	(tm) =	ssettm $0x1  }
0x91: {  	s18 =	sld [smem:$0x3FFB];
	_ =	sdelay $0x3  }
0x92: {  	_ =	strace s18  }
0x93: {  	s3 =	sld [smem:$0x3FFC];
	_ =	sdelay $0x3  }
0x94: {  	_ =	strace s3  }
0x95: {  	s3 =	sld [smem:$0x3FFD];
	_ =	sdelay $0x3  }
0x96: {  	_ =	strace s3  }
0x97: {  	_ =	strace $0x8FFFFFFF  }
0x98: {  	s19 =	sld [smem:$0x3FDB];
	_ =	sdelay $0x1  }
0x99: {  	s4 =	simm.s32 $_scs_section_size  }
0x9a: {  	s5 =	simm.s32 $_size__tile_overlayer_lowered;
	s6 =	simm.s32 $_tile_overlayer_lowered  }
0x9b: {  	s22 =	simm.s32 $0x1BFF;
	s21 =	sshll.u32 s6, $0x1;
	s3 =	sadd.s32 s4, s19  }
0x9c: {  	s7 =	simm.s32 $0x0;
	s20 =	sshll.u32 s5, $0x1;
	s5 =	sadd.s32 s21, s3  }
0x9d: {  	[timem:s7], [sflag:s22] =	dma.local [hbm:s5], s20  }
0x9e: {  	_ =	swait.ge [sflag:s22], s20  }
0x9f: {  	s4 =	ssub.s32 $0x0, s20;
	[sflag:s22] =	ssyncset.done $0x0  }
0xa0: {  	[sflag:s22] =	ssyncadd.s32 s4;
	_ =	sdelay $0x1  }
0xa1: {  	s23 =	simm.s32 $0x1B8B  }
0xa2: {  	_ =	swait.ge [sflag:s23], $0x1  }
0xa3: {  	[sflag:s23] =	ssyncset.done $0x0  }
0xa4: {  	s25 =	simm.s32 $0x1B8E;
	s24 =	sld [smem:$0x3FFE];
	[sflag:s23] =	ssyncadd.s32 $0xFFFFFFFF  }
0xa5: {  	s26 =	simm.s32 $execute0_lowered;
	[smem:$0x3FD2] =	sst s25  }
0xa6: {  	s5 =	sshll.u32 s26, $0x1;
	_ =	strace $0x80000046;
	[dreg:$0x1] =	wrdreg $0xFFFFFFFF  }
0xa7: {  	s28 =	simm.s32 $_size_execute0_lowered;
	s3 =	sadd.s32 s3, s5;
	[dreg:$0x0] =	wrdreg $0x0  }
0xa8: {  	s5 =	sshll.u32 s28, $0x1;
	[dreg:$0x2] =	wrdreg s3  }
0xa9: {  	[dreg:$0x3] =	wrdreg s5  }
0xaa: {  	[dreg:$0x4] =	wrdreg $0xC0  }
0xab: {  	_ =	task [dreg:s7], $0x5FFFF  }
0xac: {  	[dreg:$0x1] =	wrdreg $0xFFFFFFFF  }
0xad: {  	[dreg:$0x0] =	wrdreg $0x60  }
0xae: {  	[dreg:$0x2] =	wrdreg s2  }
0xaf: {  	[dreg:$0x3] =	wrdreg s24  }
0xb0: {  	[dreg:$0x4] =	wrdreg $0x9  }
0xb1: {  	_ =	task.clear_ibuf [dreg:s7], $0x5FFFF;
	_ =	strace $0x90000046  }
0xb2: {  	s29 =	simm.s32 $0x9;
	_ =	strace $0x80000048  }
0xb3: {  	_ =	swait.ge [sflag:s29], $0x1  }
0xb4: {  	[sflag:s29] =	ssyncadd.s32 $0xFFFFFFFF  }
0xb5: {  	_ =	strace $0x90000048  }
0xb6: {  	_ =	sfence  }
0xb7: {  	s30 =	sld [smem:$0x0];
	_ =	sdelay $0x2  }
0xb8: {  	s31 =	sshll.u32 s1, $0xD;
	s1 =	sshrl.u32 s1, $0x2  }
0xb9: {  	s3 =	sand.u32 $0x4000, s31;
	s1 =	sadd.s32 s1, s30  }
0xba: {  	s0 =	sor.u32 s3, s0;
	s1 =	sshll.u32 s1, $0x11  }
0xbb: {  	s0 =	sor.u32 s1, s0  }
0xbc: {  	s0 =	sadd.s32 $0x8F2B, s0  }
0xbd: {  	[sflag:s0] =	ssyncadd.remote.s32 $0x1  }
0xbe: {  	_ =	sfence.sel $0xFFFF  }
0xbf: {  	[dreg:$0x0] =	wrdreg $0xFFFFFFFF;
	(pc) =	sbr.abs _section_cstart, $3  }
0xc0: {  	[dreg:$0x1] =	wrdreg $0xFFFFFFFF  }
0xc1: {  	_ =	task.clear_ibuf [dreg:s7], $0x2FFFF;
	_ =	strace $0x9FFFFFFF  }
0xc2: {  	(tm) =	ssettm $0x7FFFFFFF  }
0xc3: {  	_ =	shalt  }
tec
execute0_lowered:
.L_overlay_start_1:
0x0: {  	(tag) =	ssettag $0x1  }
0x1: {  	s3 =	rddreg [dreg:$0x0]  }
0x2: {  	s4 =	rddreg [dreg:$0x1]  }
0x3: {  	s0 =	rddreg [dreg:$0x2];
	s5 =	srdreg.scid  }
0x4: {  	s2 =	simm.s32 $0x0;
	s1 =	stileid.u32;
	s8 =	simm.s32 $0x0  }
0x5: {  	s5 =	sand.u32 $0x1, s5;
	s6 =	sshll.u32 s1, $0xB;
	[smem:$0x7FF] =	sst s2  }
0x6: {  	s7 =	sshll.u32 s5, $0xA;
	s5 =	ssub.s32 $0x2, s5;
	_ =	strace $0x80000047  }
0x7: {  	s6 =	sor.u32 s7, s6;
	s31 =	sshrl.u32 s5, $0x1;
	s7 =	simm.s32 $0x2000  }
0x8: {  	v0 =	vlaneseq.u32;
	s4 =	sadd.s32 s6, s4;
	s5 =	ssub.s32 s5, s31;
	s3 =	sadd.s32 s3, s6  }
0x9: {  	v1 =	vimm.s32 $0x0;
	v2 =	vimm.s32 $0x1;
	vm0 =	vcmask $0x3F08;
	s6 =	simm.s32 $0x1;
	s4 =	sadd.s32 $0x1200, s4;
	s5 =	smax.u32 s5, $0x1  }
.LBB2_1:
0xa: {  	[tilespmem:s2], [sflag:$0x1] =	stream.linear.gather [hbm4b:s3+s2], $0x2000, $0x38;
	[tilespmem:$0x4000] =	vst v63  }
0xb: {  	_ =	swait.ge [sflag:s6], $0x2000  }
0xc: {  	[sflag:s6] =	ssyncset.done $0x0  }
0xd: {  	[sflag:s6] =	ssyncadd.s32 $0xFFFFE000  }
0xe: {  	s10 =	simm.s32 $0x1;
	s9 =	simm.s32 $0x0;
	s11 =	simm.s32 $0x0;
	v3 =	vld [tilespmem:s2+$0x0]  }
.LBB2_2:
0xf: {  	p0 =	sne.s32 s10, $0x3F;
	_ =	sdelay $0x3  }
0x10: {  	(xrf1) =	vsort.dscd.msk.f32 $0xffff, v3, v0;
	_ =	sdelay $0xd  }
0x11: {  	v3, v4, _ =	vpop (xrf1)  }
0x12: {  	v5 =	vperm.xlane v3, v1;
	_ =	sdelay $0x1  }
0x13: {  	v3 =	vsub.f32 v3, v5;
	_ =	sdelay $0x1  }
0x14: {  	v3 =	vmul.f32 $1.442695020e+00, v3;
	_ =	sdelay $0x1  }
0x15: {  	(erf) = vpow2.f32 v3;
	_ =	sdelay $0x8  }
0x16: {  	v3 =	vpop (erf)  }
0x17: {  	v5 =	vperm.xlane v3, v2;
	_ =	sdelay $0x1  }
0x18: {  	v5 =	vadd.f32 $1.000000000e+00, v5;
	_ =	sdelay $0x1  }
0x19: {  	(erf) = vrcp.f32 v5;
	_ =	sdelay $0x4  }
0x1a: {  	s12 =	sshll.u32 s9, $0x7;
	s9 =	smov.u32 s10;
	v5 =	vand.u32 $0xFFFFFF80, v4  }
0x1b: {  	v4 =	vand.u32 $0x7F, v4;
	v5 =	vadd.s32 s12, v5  }
0x1c: {  	v4 =	vor.u32 v4, v5  }
0x1d: {  	vm1 =	veq.s32 v0, $0x0;
	v3 =	vsel vm0, $0x0, v3  }
.Ltmp0:
0x1e: {  	v3 =	vsel vm1, $0x3F800000, v3;
	v5 =	vpop (erf);
	(pc) =	sbr.rel @p0 .LBB2_2-.Ltmp0, $3  }
0x1f: {  	v3 =	vmul.f32 v3, v5;
	_ =	sdelay $0x1  }
0x20: {  	s11 =	sadd.s32 $0x80, s11;
	[tilespmem:v4+s7+$0x0] =	vst.idx.msk $0xffff, v3  }
0x21: {  	s10 =	sadd.s32 $0x1, s10;
	v3 =	vld [tilespmem:s11+$0x0]  }
0x22: {  	_ =	sdelay $0x3  }
0x23: {  	(xrf1) =	vsort.dscd.msk.f32 $0xffff, v3, v0;
	_ =	sdelay $0xd  }
0x24: {  	v3, v4, _ =	vpop (xrf1)  }
0x25: {  	v5 =	vperm.xlane v3, v1;
	_ =	sdelay $0x1  }
0x26: {  	v3 =	vsub.f32 v3, v5;
	_ =	sdelay $0x1  }
0x27: {  	v3 =	vmul.f32 $1.442695020e+00, v3;
	_ =	sdelay $0x1  }
0x28: {  	(erf) = vpow2.f32 v3;
	_ =	sdelay $0x8  }
0x29: {  	v3 =	vpop (erf)  }
0x2a: {  	v61 =	vperm.xlane v3, v2;
	_ =	sdelay $0x1  }
0x2b: {  	v5 =	vadd.f32 $1.000000000e+00, v61;
	_ =	sdelay $0x1  }
0x2c: {  	(erf) = vrcp.f32 v5;
	_ =	sdelay $0x4  }
0x2d: {  	s9 =	sshll.u32 s9, $0x7;
	v62 =	vand.u32 $0xFFFFFF80, v4  }
0x2e: {  	v4 =	vand.u32 $0x7F, v4;
	v5 =	vadd.s32 s9, v62  }
0x2f: {  	v4 =	vor.u32 v4, v5  }
0x30: {  	v3 =	vsel vm0, $0x0, v3  }
0x31: {  	v3 =	vsel vm1, $0x3F800000, v3;
	v63 =	vpop (erf)  }
0x32: {  	s8 =	sadd.s32 $0x1, s8;
	v3 =	vmul.f32 v3, v63  }
0x33: {  	p0 =	sne.s32 s8, s5  }
.Ltmp1:
0x34: {  	[tilespmem:v4+s7+$0x0] =	vst.idx.msk $0xffff, v3;
	(pc) =	sbr.rel @p0 .LBB2_1-.Ltmp1, $4  }
0x35: {  	[hbm4b:s4+s2] =	stream.linear.scatter [tilespmem:s7], [sflag:$0x1], $0x2000, $0x38;
	[tilespmem:$0x4000] =	vst v63  }
0x36: {  	_ =	swait.ge [sflag:s6], $0x2000  }
0x37: {  	[sflag:s6] =	ssyncset.done $0x0  }
0x38: {  	[sflag:s6] =	ssyncadd.s32 $0xFFFFE000  }
0x39: {  	_ =	sfence.sel $0x180000  }
0x3a: {  	[bflag:$0x0] =	sbarrier.arrive $0xFFFF  }
0x3b: {  	p0 =	sne.s32 s1, $0x0;
	_ =	strace $0x90000047  }
0x3c: {  	s0 =	sadd.s32 @!p0 $0x100000, s0;
	[bflag:$0x2] =	sbarrier.arrive $0xFFFF  }
0x3d: {  	[sflag:s0] =	ssyncadd.tile.s32 @!p0 $0x1;
	_ =	shalt  }
.Lfunc_end2:
_tile_overlayer_lowered:
.L_overlay_start_2:
0x3e: {  	(tag) =	ssettag $0x2  }
0x3f: {  	s0 =	rddreg [dreg:$0x0];
	s2 =	stileid.u32  }
0x40: {  	s1 =	rddreg [dreg:$0x1];
	p0 =	sne.s32 s2, $0x0  }
0x41: {  	s3 =	rddreg [dreg:$0x2];
	[bflag:$0x3] =	sbarrier.arrive $0xFFFF;
	s2 =	simm.s32 @!p0 $0x1C01  }
0x42: {  	[timem:s3], [sflag:s2] =	dma.local @!p0 [hbm:s0], s1  }
0x43: {  	s0 =	simm.s32 @!p0 $0x1  }
0x44: {  	_ =	swait.ge @!p0 [sflag:s0], s1  }
0x45: {  	s1 =	ssub.s32 @!p0 $0x0, s1;
	[sflag:s0] =	ssyncset.done @!p0 $0x0  }
0x46: {  	[sflag:s0] =	ssyncadd.s32 @!p0 s1  }
0x47: {  	[bflag:$0x3] =	sbarrier.arrive $0xFFFF  }
0x48: {  	_ =	shalt  }

</sc_bundles>
